<compile_context>
chip_gen: v7x
topology: tpu7x:2x2x1
jax: 0.10.2.dev20260603
libtpu: 0.0.44.dev20260713+nightly
codegen_flags: <defaults>
</compile_context>

<pallas_src>
import functools

import jax
import jax.numpy as jnp
from jax import lax
from jax.experimental import pallas as pl
from jax.experimental.pallas import tpu as pltpu
from jax.experimental.pallas import tpu_sc as plsc

DIM = 64
PAD = 128
CB = 1024
LANE_BLOCK = 1024
BATCH_BLOCK = 8


def _argmin_body(xt_ref, et_ref, ind_ref, indb_ref, pad_ref):
    et = et_ref[...]
    etT = et.T
    ee = jnp.sum(etT * etT, axis=1, keepdims=True)
    et2 = et + et
    rpb = LANE_BLOCK // PAD
    for bb in range(BATCH_BLOCK):
        xb = xt_ref[bb]
        xx = jnp.sum(xb * xb, axis=0)[None, :]
        xe2 = lax.dot_general(et2, xb, (((0,), (0,)), ((), ())),
                              preferred_element_type=jnp.float32)
        d = (xx - xe2) + ee
        m = jnp.min(d, axis=0, keepdims=True)
        iota = lax.broadcasted_iota(jnp.int32, (CB, 1), 0).astype(jnp.float32)
        ind_f = jnp.min(jnp.where(d <= m, iota, jnp.float32(2**30)), axis=0)
        ind_i = ind_f.astype(jnp.int32)
        ind_ref[pl.ds(bb * rpb, rpb), :] = ind_i.reshape(rpb, PAD)
        indb_ref[pl.ds(bb, 1), :] = ind_i.reshape(1, LANE_BLOCK)
    pad_ref[:, :DIM] = etT
    pad_ref[:, DIM:] = jnp.zeros((CB, PAD - DIM), jnp.float32)


def _argmin_indices(xt, et):
    nb = xt.shape[0]
    n = nb * xt.shape[2]
    grid = nb // BATCH_BLOCK
    rows_per_step = BATCH_BLOCK * LANE_BLOCK // PAD
    ind2d, indb, embed_pad = pl.pallas_call(
        _argmin_body,
        grid=(grid,),
        in_specs=[
            pl.BlockSpec((BATCH_BLOCK, DIM, LANE_BLOCK), lambda i: (i, 0, 0)),
            pl.BlockSpec((DIM, CB), lambda i: (0, 0)),
        ],
        out_specs=[
            pl.BlockSpec((rows_per_step, PAD), lambda i: (i, 0)),
            pl.BlockSpec((BATCH_BLOCK, LANE_BLOCK), lambda i: (i, 0)),
            pl.BlockSpec((CB, PAD), lambda i: (0, 0)),
        ],
        out_shape=[
            jax.ShapeDtypeStruct((n // PAD, PAD), jnp.int32),
            jax.ShapeDtypeStruct((nb, LANE_BLOCK), jnp.int32),
            jax.ShapeDtypeStruct((CB, PAD), jnp.float32),
        ],
    )(xt, et)
    return ind2d, indb, embed_pad


@functools.lru_cache(maxsize=None)
def _sc_gather_fn(batch):
    info = plsc.get_sparse_core_info()
    nc = info.num_cores
    nw = nc * info.num_subcores
    nrow = batch // PAD
    rows_per_w = nrow // nw
    mesh = plsc.VectorSubcoreMesh(core_axis_name="c", subcore_axis_name="s")

    @functools.partial(
        pl.kernel,
        mesh=mesh,
        out_type=jax.ShapeDtypeStruct((nrow, PAD, PAD), jnp.float32),
        scratch_types=[
            pltpu.VMEM((rows_per_w, PAD), jnp.int32),
            pltpu.VMEM((rows_per_w, PAD, PAD), jnp.float32),
            pltpu.SemaphoreType.DMA,
        ],
    )
    def gather(table_hbm, idx_hbm, out_hbm, idx_v, rows_v, sem):
        wid = lax.axis_index("s") * nc + lax.axis_index("c")
        base = wid * rows_per_w
        pltpu.sync_copy(idx_hbm.at[pl.ds(base, rows_per_w)], idx_v)
        copies = [
            pltpu.async_copy(table_hbm.at[idx_v.at[j]], rows_v.at[j], sem)
            for j in range(rows_per_w)
        ]
        for c in copies:
            c.wait()
        pltpu.sync_copy(rows_v, out_hbm.at[pl.ds(base, rows_per_w)])

    return gather


def kernel(x, embed):
    shape = x.shape
    n = x.shape[0] * x.shape[1]
    x = x.astype(jnp.float32)
    xt = jnp.transpose(x, (0, 2, 1))
    et = jnp.transpose(embed.astype(jnp.float32))
    ind2d, indb, embed_pad = _argmin_indices(xt, et)
    rows = _sc_gather_fn(n)(embed_pad, ind2d)
    quantize = rows.reshape(n, PAD)[:, :DIM]
    return (quantize.reshape(shape).astype(x.dtype),
            indb.reshape(shape[:-1]))

# --- scband reference (transcript-rebuilt; emitter-appended) ---
"""Pipeline reference for scband-euclidean-codebook-11166914969822 (READ-ONLY COPY).

The authoritative reference and input builder live on the scoring server;
editing this copy changes nothing except your own understanding.
"""

import jax, jax.numpy as jnp
import numpy as np

DIM = 64
CODEBOOK_SIZE = 1024

def setup_inputs(seed: int = 0) -> dict:
    key = jax.random.key(seed)
    k1, k2 = jax.random.split(key)
    x = jax.random.normal(k1, (8, 1024, DIM), dtype=jnp.float32)
    # kaiming_uniform_ init for the codebook buffer: bound = sqrt(6 / fan_in), fan_in = DIM
    bound = float(np.sqrt(6.0 / DIM))
    embed = jax.random.uniform(k2, (CODEBOOK_SIZE, DIM), dtype=jnp.float32, minval=-bound, maxval=bound)
    return {"x": x, "embed": embed}

def reference(x, embed):
    # EuclideanCodebook.forward in eval mode (inited=True, self.training=False)
    shape = x.shape
    dtype = x.dtype
    xf = x.reshape(-1, shape[-1]).astype(jnp.float32)
    # quantize: squared euclidean distance argmin
    e_t = embed.T.astype(jnp.float32)
    dist = (jnp.sum(xf ** 2, axis=1, keepdims=True)
            - 2.0 * (xf @ e_t)
            + jnp.sum(e_t ** 2, axis=0, keepdims=True))
    embed_ind_flat = jnp.argmin(dist, axis=-1)
    embed_ind = embed_ind_flat.reshape(shape[:-1])
    # dequantize: embedding lookup
    quantize = jnp.take(embed, embed_ind, axis=0).astype(dtype)
    return quantize, embed_ind

if __name__ == "__main__":
    import jax
    _d = setup_inputs()
    print(jax.jit(kernel)(*tuple(_d.values())))

</pallas_src>

<mosaic_0001>
#map = affine_map<(d0, d1) -> (0, 0)>
#map1 = affine_map<(d0, d1) -> (0, 0, 0)>
module attributes {stable_mosaic.version = 14 : i64} {
  func.func @gather(%arg0: i32, %arg1: i32, %arg2: memref<1024x128xf32, #tpu.memory_space<hbm>>, %arg3: memref<64x128xi32, #tpu.memory_space<hbm>>, %arg4: memref<64x128x128xf32, #tpu.memory_space<hbm>>, %arg5: memref<2x128xi32, #tpu.memory_space<vmem>>, %arg6: memref<2x128x128xf32, #tpu.memory_space<vmem>>, %arg7: memref<!tpu.dma_semaphore, #tpu.memory_space<semaphore_mem>>) attributes {dimension_semantics = [#tpu.dimension_semantics<core_parallel>, #tpu.dimension_semantics<subcore_parallel>], iteration_bounds = array<i64: 2, 16>, scalar_prefetch = 0 : i64, scratch_operands = 3 : i64, tpu.core_type = #tpu.core_type<sc_vector_subcore>, window_params = [{transform_indices = #map}, {transform_indices = #map}, {transform_indices = #map1}]} {
    %mul3A = arith.constant 2 : i32
    %mul3A_0 = arith.muli %arg1, %mul3A : i32
    %add3A = arith.addi %mul3A_0, %arg0 : i32
    %mul3A_1 = arith.constant 2 : i32
    %mul3A_2 = arith.muli %add3A, %mul3A_1 : i32
    "tpu.region"() ({
      %run_scoped3A = tpu.sem_alloc : memref<!tpu.dma_semaphore, #tpu.memory_space<semaphore_mem>>
      %dma_start3A_49 = arith.constant 0 : i32
      %dma_start3A_50 = tpu.memref_slice %arg3[%mul3A_2, %dma_start3A_49] : memref<64x128xi32, #tpu.memory_space<hbm>> -> memref<2x128xi32, #tpu.memory_space<hbm>>
      %dma_start3A_51 = arith.constant 0 : i32
      %dma_start3A_52 = tpu.memref_slice %arg3[%mul3A_2, %dma_start3A_51] : memref<64x128xi32, #tpu.memory_space<hbm>> -> memref<2x128xi32, #tpu.memory_space<hbm>>
      tpu.enqueue_dma source(%dma_start3A_52 : memref<2x128xi32, #tpu.memory_space<hbm>>) target(%arg5 : memref<2x128xi32, #tpu.memory_space<vmem>>) target_semaphore(%run_scoped3A : memref<!tpu.dma_semaphore, #tpu.memory_space<semaphore_mem>>)
      %dma_wait3A_53 = arith.constant 0 : i32
      %dma_wait3A_54 = tpu.memref_slice %arg3[%mul3A_2, %dma_wait3A_53] : memref<64x128xi32, #tpu.memory_space<hbm>> -> memref<2x128xi32, #tpu.memory_space<hbm>>
      %dma_wait3A_55 = arith.constant 0 : i32
      %dma_wait3A_56 = tpu.memref_slice %arg3[%mul3A_2, %dma_wait3A_55] : memref<64x128xi32, #tpu.memory_space<hbm>> -> memref<2x128xi32, #tpu.memory_space<hbm>>
      tpu.wait_dma2 semaphore(%run_scoped3A : memref<!tpu.dma_semaphore, #tpu.memory_space<semaphore_mem>>) src(%dma_wait3A_56 : memref<2x128xi32, #tpu.memory_space<hbm>>) dst(%arg5 : memref<2x128xi32, #tpu.memory_space<vmem>>)
      tpu.yield
    }) : () -> ()
    %dma_start3A = arith.constant 0 : i32
    %dma_start3A_3 = arith.constant 0 : i32
    %dma_start3A_4 = arith.constant 0 : i32
    %dma_start3A_5 = arith.constant 0 : i32
    %dma_start3A_6 = tpu.memref_slice %arg6[%dma_start3A_3, %dma_start3A_4, %dma_start3A_5] : memref<2x128x128xf32, #tpu.memory_space<vmem>> -> memref<1x128x128xf32, #tpu.memory_space<vmem>>
    %dma_start3A_7 = tpu.memref_squeeze %dma_start3A_6 : memref<1x128x128xf32, #tpu.memory_space<vmem>> -> memref<128x128xf32, #tpu.memory_space<vmem>>
    %dma_start3A_8 = arith.constant 0 : i32
    %dma_start3A_9 = tpu.memref_slice %arg5[%dma_start3A, %dma_start3A_8] : memref<2x128xi32, #tpu.memory_space<vmem>> -> memref<1x128xi32, #tpu.memory_space<vmem>>
    %dma_start3A_10 = tpu.memref_squeeze %dma_start3A_9 : memref<1x128xi32, #tpu.memory_space<vmem>> -> memref<128xi32, #tpu.memory_space<vmem>>
    %dma_start3A_11 = arith.constant 0 : i32
    %dma_start3A_12 = arith.constant 0 : i32
    %dma_start3A_13 = tpu.memref_slice %arg2[%dma_start3A_11, %dma_start3A_12] : memref<1024x128xf32, #tpu.memory_space<hbm>> -> memref<1024x128xf32, #tpu.memory_space<hbm>>
    tpu.enqueue_indirect_dma source(%dma_start3A_13 : memref<1024x128xf32, #tpu.memory_space<hbm>>) target(%dma_start3A_7 : memref<128x128xf32, #tpu.memory_space<vmem>>) offsets(%dma_start3A_10 : memref<128xi32, #tpu.memory_space<vmem>>) semaphore(%arg7 : memref<!tpu.dma_semaphore, #tpu.memory_space<semaphore_mem>>)
    %dma_start3A_14 = arith.constant 1 : i32
    %dma_start3A_15 = arith.constant 1 : i32
    %dma_start3A_16 = arith.constant 0 : i32
    %dma_start3A_17 = arith.constant 0 : i32
    %dma_start3A_18 = tpu.memref_slice %arg6[%dma_start3A_15, %dma_start3A_16, %dma_start3A_17] : memref<2x128x128xf32, #tpu.memory_space<vmem>> -> memref<1x128x128xf32, #tpu.memory_space<vmem>>
    %dma_start3A_19 = tpu.memref_squeeze %dma_start3A_18 : memref<1x128x128xf32, #tpu.memory_space<vmem>> -> memref<128x128xf32, #tpu.memory_space<vmem>>
    %dma_start3A_20 = arith.constant 0 : i32
    %dma_start3A_21 = tpu.memref_slice %arg5[%dma_start3A_14, %dma_start3A_20] : memref<2x128xi32, #tpu.memory_space<vmem>> -> memref<1x128xi32, #tpu.memory_space<vmem>>
    %dma_start3A_22 = tpu.memref_squeeze %dma_start3A_21 : memref<1x128xi32, #tpu.memory_space<vmem>> -> memref<128xi32, #tpu.memory_space<vmem>>
    %dma_start3A_23 = arith.constant 0 : i32
    %dma_start3A_24 = arith.constant 0 : i32
    %dma_start3A_25 = tpu.memref_slice %arg2[%dma_start3A_23, %dma_start3A_24] : memref<1024x128xf32, #tpu.memory_space<hbm>> -> memref<1024x128xf32, #tpu.memory_space<hbm>>
    tpu.enqueue_indirect_dma source(%dma_start3A_25 : memref<1024x128xf32, #tpu.memory_space<hbm>>) target(%dma_start3A_19 : memref<128x128xf32, #tpu.memory_space<vmem>>) offsets(%dma_start3A_22 : memref<128xi32, #tpu.memory_space<vmem>>) semaphore(%arg7 : memref<!tpu.dma_semaphore, #tpu.memory_space<semaphore_mem>>)
    %dma_wait3A = arith.constant 0 : i32
    %dma_wait3A_26 = arith.constant 0 : i32
    %dma_wait3A_27 = arith.constant 0 : i32
    %dma_wait3A_28 = arith.constant 0 : i32
    %dma_wait3A_29 = tpu.memref_slice %arg6[%dma_wait3A_26, %dma_wait3A_27, %dma_wait3A_28] : memref<2x128x128xf32, #tpu.memory_space<vmem>> -> memref<1x128x128xf32, #tpu.memory_space<vmem>>
    %dma_wait3A_30 = tpu.memref_squeeze %dma_wait3A_29 : memref<1x128x128xf32, #tpu.memory_space<vmem>> -> memref<128x128xf32, #tpu.memory_space<vmem>>
    %dma_wait3A_31 = arith.constant 0 : i32
    %dma_wait3A_32 = tpu.memref_slice %arg5[%dma_wait3A, %dma_wait3A_31] : memref<2x128xi32, #tpu.memory_space<vmem>> -> memref<1x128xi32, #tpu.memory_space<vmem>>
    %dma_wait3A_33 = tpu.memref_squeeze %dma_wait3A_32 : memref<1x128xi32, #tpu.memory_space<vmem>> -> memref<128xi32, #tpu.memory_space<vmem>>
    %dma_wait3A_34 = arith.constant 0 : i32
    %dma_wait3A_35 = arith.constant 0 : i32
    %dma_wait3A_36 = tpu.memref_slice %arg2[%dma_wait3A_34, %dma_wait3A_35] : memref<1024x128xf32, #tpu.memory_space<hbm>> -> memref<1024x128xf32, #tpu.memory_space<hbm>>
    tpu.wait_indirect_dma semaphore(%arg7 : memref<!tpu.dma_semaphore, #tpu.memory_space<semaphore_mem>>) src(%dma_wait3A_36 : memref<1024x128xf32, #tpu.memory_space<hbm>>) dst(%dma_wait3A_30 : memref<128x128xf32, #tpu.memory_space<vmem>>)
    %dma_wait3A_37 = arith.constant 1 : i32
    %dma_wait3A_38 = arith.constant 1 : i32
    %dma_wait3A_39 = arith.constant 0 : i32
    %dma_wait3A_40 = arith.constant 0 : i32
    %dma_wait3A_41 = tpu.memref_slice %arg6[%dma_wait3A_38, %dma_wait3A_39, %dma_wait3A_40] : memref<2x128x128xf32, #tpu.memory_space<vmem>> -> memref<1x128x128xf32, #tpu.memory_space<vmem>>
    %dma_wait3A_42 = tpu.memref_squeeze %dma_wait3A_41 : memref<1x128x128xf32, #tpu.memory_space<vmem>> -> memref<128x128xf32, #tpu.memory_space<vmem>>
    %dma_wait3A_43 = arith.constant 0 : i32
    %dma_wait3A_44 = tpu.memref_slice %arg5[%dma_wait3A_37, %dma_wait3A_43] : memref<2x128xi32, #tpu.memory_space<vmem>> -> memref<1x128xi32, #tpu.memory_space<vmem>>
    %dma_wait3A_45 = tpu.memref_squeeze %dma_wait3A_44 : memref<1x128xi32, #tpu.memory_space<vmem>> -> memref<128xi32, #tpu.memory_space<vmem>>
    %dma_wait3A_46 = arith.constant 0 : i32
    %dma_wait3A_47 = arith.constant 0 : i32
    %dma_wait3A_48 = tpu.memref_slice %arg2[%dma_wait3A_46, %dma_wait3A_47] : memref<1024x128xf32, #tpu.memory_space<hbm>> -> memref<1024x128xf32, #tpu.memory_space<hbm>>
    tpu.wait_indirect_dma semaphore(%arg7 : memref<!tpu.dma_semaphore, #tpu.memory_space<semaphore_mem>>) src(%dma_wait3A_48 : memref<1024x128xf32, #tpu.memory_space<hbm>>) dst(%dma_wait3A_42 : memref<128x128xf32, #tpu.memory_space<vmem>>)
    "tpu.region"() ({
      %run_scoped3A = tpu.sem_alloc : memref<!tpu.dma_semaphore, #tpu.memory_space<semaphore_mem>>
      %dma_start3A_49 = arith.constant 0 : i32
      %dma_start3A_50 = arith.constant 0 : i32
      %dma_start3A_51 = tpu.memref_slice %arg4[%mul3A_2, %dma_start3A_49, %dma_start3A_50] : memref<64x128x128xf32, #tpu.memory_space<hbm>> -> memref<2x128x128xf32, #tpu.memory_space<hbm>>
      %dma_start3A_52 = arith.constant 0 : i32
      %dma_start3A_53 = arith.constant 0 : i32
      %dma_start3A_54 = tpu.memref_slice %arg4[%mul3A_2, %dma_start3A_52, %dma_start3A_53] : memref<64x128x128xf32, #tpu.memory_space<hbm>> -> memref<2x128x128xf32, #tpu.memory_space<hbm>>
      tpu.enqueue_dma source(%arg6 : memref<2x128x128xf32, #tpu.memory_space<vmem>>) target(%dma_start3A_54 : memref<2x128x128xf32, #tpu.memory_space<hbm>>) target_semaphore(%run_scoped3A : memref<!tpu.dma_semaphore, #tpu.memory_space<semaphore_mem>>)
      %dma_wait3A_55 = arith.constant 0 : i32
      %dma_wait3A_56 = arith.constant 0 : i32
      %dma_wait3A_57 = tpu.memref_slice %arg4[%mul3A_2, %dma_wait3A_55, %dma_wait3A_56] : memref<64x128x128xf32, #tpu.memory_space<hbm>> -> memref<2x128x128xf32, #tpu.memory_space<hbm>>
      %dma_wait3A_58 = arith.constant 0 : i32
      %dma_wait3A_59 = arith.constant 0 : i32
      %dma_wait3A_60 = tpu.memref_slice %arg4[%mul3A_2, %dma_wait3A_58, %dma_wait3A_59] : memref<64x128x128xf32, #tpu.memory_space<hbm>> -> memref<2x128x128xf32, #tpu.memory_space<hbm>>
      tpu.wait_dma2 semaphore(%run_scoped3A : memref<!tpu.dma_semaphore, #tpu.memory_space<semaphore_mem>>) src(%arg6 : memref<2x128x128xf32, #tpu.memory_space<vmem>>) dst(%dma_wait3A_60 : memref<2x128x128xf32, #tpu.memory_space<hbm>>)
      tpu.yield
    }) : () -> ()
    return
  }
}

module attributes {stable_mosaic.version = 14 : i64} {
  func.func @_argmin_body(%arg0: i32, %arg1: memref<8x64x1024xf32, #tpu.memory_space<vmem>>, %arg2: memref<64x1024xf32, #tpu.memory_space<vmem>>, %arg3: memref<64x128xi32, #tpu.memory_space<vmem>>, %arg4: memref<8x1024xi32, #tpu.memory_space<vmem>>, %arg5: memref<1024x128xf32, #tpu.memory_space<vmem>>) attributes {dimension_semantics = [#tpu.dimension_semantics<arbitrary>], iteration_bounds = array<i64: 1>, scalar_prefetch = 0 : i64, scratch_operands = 0 : i64, tpu.core_type = #tpu.core_type<tc>, window_params = [{transform_indices = @transform_0, window_bounds = array<i64: 8, 64, 1024>}, {pipeline_mode = #tpu.pipeline_mode<synchronous>, transform_indices = @transform_1, window_bounds = array<i64: 64, 1024>}, {transform_indices = @transform_2, window_bounds = array<i64: 64, 128>}, {transform_indices = @transform_3, window_bounds = array<i64: 8, 1024>}, {pipeline_mode = #tpu.pipeline_mode<synchronous>, transform_indices = @transform_4, window_bounds = array<i64: 1024, 128>}]} {
    %get3A = arith.constant 0 : index
    %get3A_0 = arith.constant 0 : index
    %get3A_1 = vector.load %arg2[%get3A, %get3A_0] : memref<64x1024xf32, #tpu.memory_space<vmem>>, vector<64x1024xf32>
    %transpose3A = tpu.transpose %get3A_1, [1, 0] : vector<64x1024xf32> -> vector<1024x64xf32>
    %mul3A = arith.mulf %transpose3A, %transpose3A : vector<1024x64xf32>
    %reduce_sum3A = arith.constant dense<0.000000e+00> : vector<1024xf32>
    %reduce_sum3A_2 = vector.multi_reduction <add>, %mul3A, %reduce_sum3A [1] : vector<1024x64xf32> to vector<1024xf32>
    %broadcast_in_dim3A = vector.shape_cast %reduce_sum3A_2 : vector<1024xf32> to vector<1024x1xf32>
    %add3A = arith.addf %get3A_1, %get3A_1 : vector<64x1024xf32>
    %get3A_3 = arith.constant 0 : index
    %get3A_4 = arith.constant 0 : index
    %get3A_5 = arith.constant 0 : index
    %get3A_6 = vector.load %arg1[%get3A_3, %get3A_4, %get3A_5] : memref<8x64x1024xf32, #tpu.memory_space<vmem>>, vector<1x64x1024xf32>
    %get3A_7 = vector.shape_cast %get3A_6 : vector<1x64x1024xf32> to vector<64x1024xf32>
    %mul3A_8 = arith.mulf %get3A_7, %get3A_7 : vector<64x1024xf32>
    %reduce_sum3A_9 = arith.constant dense<0.000000e+00> : vector<1024xf32>
    %reduce_sum3A_10 = vector.multi_reduction <add>, %mul3A_8, %reduce_sum3A_9 [0] : vector<64x1024xf32> to vector<1024xf32>
    %broadcast_in_dim3A_11 = vector.shape_cast %reduce_sum3A_10 : vector<1024xf32> to vector<1x1024xf32>
    %dot_general3A = arith.constant dense<0.000000e+00> : vector<1024x1024xf32>
    %dot_general3A_12 = tpu.matmul %add3A, %get3A_7, %dot_general3A {dimension_numbers = #tpu.dot_dimension_numbers<[0], [0], [1], [1], [0, 1, 1, 1], [], []>, transpose_lhs_hint = false} : vector<64x1024xf32>, vector<64x1024xf32>, vector<1024x1024xf32> -> vector<1024x1024xf32>
    %sub3A = vector.broadcast %broadcast_in_dim3A_11 : vector<1x1024xf32> to vector<1024x1024xf32>
    %sub3A_13 = arith.subf %sub3A, %dot_general3A_12 : vector<1024x1024xf32>
    %add3A_14 = vector.broadcast %broadcast_in_dim3A : vector<1024x1xf32> to vector<1024x1024xf32>
    %add3A_15 = arith.addf %sub3A_13, %add3A_14 : vector<1024x1024xf32>
    %reduce_min3A = arith.constant dense<0x7F800000> : vector<1024xf32>
    %reduce_min3A_16 = vector.multi_reduction <minimumf>, %add3A_15, %reduce_min3A [0] : vector<1024x1024xf32> to vector<1024xf32>
    %broadcast_in_dim3A_17 = vector.shape_cast %reduce_min3A_16 : vector<1024xf32> to vector<1x1024xf32>
    %iota3A = tpu.iota {dimensions = array<i32: 0>} : vector<1024x1xi32>
    %convert_element_type3A = arith.sitofp %iota3A : vector<1024x1xi32> to vector<1024x1xf32>
    %le3A = vector.broadcast %broadcast_in_dim3A_17 : vector<1x1024xf32> to vector<1024x1024xf32>
    %le3A_18 = arith.cmpf ole, %add3A_15, %le3A : vector<1024x1024xf32>
    %jit3A = arith.constant 1.07374182E+9 : f32
    %broadcast_in_dim3A_19 = vector.shape_cast %convert_element_type3A : vector<1024x1xf32> to vector<1024x1xf32>
    %broadcast_in_dim3A_20 = vector.broadcast %broadcast_in_dim3A_19 : vector<1024x1xf32> to vector<1024x1024xf32>
    %broadcast_in_dim3A_21 = vector.broadcast %jit3A : f32 to vector<1024x1024xf32>
    %select_n3A = arith.select %le3A_18, %broadcast_in_dim3A_20, %broadcast_in_dim3A_21 : vector<1024x1024xi1>, vector<1024x1024xf32>
    %reduce_min3A_22 = arith.constant dense<0x7F800000> : vector<1024xf32>
    %reduce_min3A_23 = vector.multi_reduction <minimumf>, %select_n3A, %reduce_min3A_22 [0] : vector<1024x1024xf32> to vector<1024xf32>
    %convert_element_type3A_24 = arith.fptosi %reduce_min3A_23 : vector<1024xf32> to vector<1024xi32>
    %reshape3A = vector.shape_cast %convert_element_type3A_24 : vector<1024xi32> to vector<8x128xi32>
    %swap3A = arith.constant 0 : index
    %swap3A_25 = arith.constant 0 : index
    %swap3A_26 = vector.load %arg3[%swap3A, %swap3A_25] : memref<64x128xi32, #tpu.memory_space<vmem>>, vector<8x128xi32>
    tpu.vector_store %arg3[%swap3A, %swap3A_25], %reshape3A {strides = array<i32>} : memref<64x128xi32, #tpu.memory_space<vmem>>, vector<8x128xi32>,
    %reshape3A_27 = vector.shape_cast %convert_element_type3A_24 : vector<1024xi32> to vector<1x1024xi32>
    %swap3A_28 = arith.constant 0 : index
    %swap3A_29 = arith.constant 0 : index
    %swap3A_30 = vector.load %arg4[%swap3A_28, %swap3A_29] : memref<8x1024xi32, #tpu.memory_space<vmem>>, vector<1x1024xi32>
    tpu.vector_store %arg4[%swap3A_28, %swap3A_29], %reshape3A_27 {strides = array<i32>} : memref<8x1024xi32, #tpu.memory_space<vmem>>, vector<1x1024xi32>,
    %get3A_31 = arith.constant 1 : index
    %get3A_32 = arith.constant 0 : index
    %get3A_33 = arith.constant 0 : index
    %get3A_34 = vector.load %arg1[%get3A_31, %get3A_32, %get3A_33] : memref<8x64x1024xf32, #tpu.memory_space<vmem>>, vector<1x64x1024xf32>
    %get3A_35 = vector.shape_cast %get3A_34 : vector<1x64x1024xf32> to vector<64x1024xf32>
    %mul3A_36 = arith.mulf %get3A_35, %get3A_35 : vector<64x1024xf32>
    %reduce_sum3A_37 = arith.constant dense<0.000000e+00> : vector<1024xf32>
    %reduce_sum3A_38 = vector.multi_reduction <add>, %mul3A_36, %reduce_sum3A_37 [0] : vector<64x1024xf32> to vector<1024xf32>
    %broadcast_in_dim3A_39 = vector.shape_cast %reduce_sum3A_38 : vector<1024xf32> to vector<1x1024xf32>
    %dot_general3A_40 = arith.constant dense<0.000000e+00> : vector<1024x1024xf32>
    %dot_general3A_41 = tpu.matmul %add3A, %get3A_35, %dot_general3A_40 {dimension_numbers = #tpu.dot_dimension_numbers<[0], [0], [1], [1], [0, 1, 1, 1], [], []>, transpose_lhs_hint = false} : vector<64x1024xf32>, vector<64x1024xf32>, vector<1024x1024xf32> -> vector<1024x1024xf32>
    %sub3A_42 = vector.broadcast %broadcast_in_dim3A_39 : vector<1x1024xf32> to vector<1024x1024xf32>
    %sub3A_43 = arith.subf %sub3A_42, %dot_general3A_41 : vector<1024x1024xf32>
    %add3A_44 = vector.broadcast %broadcast_in_dim3A : vector<1024x1xf32> to vector<1024x1024xf32>
    %add3A_45 = arith.addf %sub3A_43, %add3A_44 : vector<1024x1024xf32>
    %reduce_min3A_46 = arith.constant dense<0x7F800000> : vector<1024xf32>
    %reduce_min3A_47 = vector.multi_reduction <minimumf>, %add3A_45, %reduce_min3A_46 [0] : vector<1024x1024xf32> to vector<1024xf32>
    %broadcast_in_dim3A_48 = vector.shape_cast %reduce_min3A_47 : vector<1024xf32> to vector<1x1024xf32>
    %iota3A_49 = tpu.iota {dimensions = array<i32: 0>} : vector<1024x1xi32>
    %convert_element_type3A_50 = arith.sitofp %iota3A_49 : vector<1024x1xi32> to vector<1024x1xf32>
    %le3A_51 = vector.broadcast %broadcast_in_dim3A_48 : vector<1x1024xf32> to vector<1024x1024xf32>
    %le3A_52 = arith.cmpf ole, %add3A_45, %le3A_51 : vector<1024x1024xf32>
    %jit3A_53 = arith.constant 1.07374182E+9 : f32
    %broadcast_in_dim3A_54 = vector.shape_cast %convert_element_type3A_50 : vector<1024x1xf32> to vector<1024x1xf32>
    %broadcast_in_dim3A_55 = vector.broadcast %broadcast_in_dim3A_54 : vector<1024x1xf32> to vector<1024x1024xf32>
    %broadcast_in_dim3A_56 = vector.broadcast %jit3A_53 : f32 to vector<1024x1024xf32>
    %select_n3A_57 = arith.select %le3A_52, %broadcast_in_dim3A_55, %broadcast_in_dim3A_56 : vector<1024x1024xi1>, vector<1024x1024xf32>
    %reduce_min3A_58 = arith.constant dense<0x7F800000> : vector<1024xf32>
    %reduce_min3A_59 = vector.multi_reduction <minimumf>, %select_n3A_57, %reduce_min3A_58 [0] : vector<1024x1024xf32> to vector<1024xf32>
    %convert_element_type3A_60 = arith.fptosi %reduce_min3A_59 : vector<1024xf32> to vector<1024xi32>
    %reshape3A_61 = vector.shape_cast %convert_element_type3A_60 : vector<1024xi32> to vector<8x128xi32>
    %swap3A_62 = arith.constant 8 : index
    %swap3A_63 = arith.constant 0 : index
    %swap3A_64 = vector.load %arg3[%swap3A_62, %swap3A_63] : memref<64x128xi32, #tpu.memory_space<vmem>>, vector<8x128xi32>
    tpu.vector_store %arg3[%swap3A_62, %swap3A_63], %reshape3A_61 {strides = array<i32>} : memref<64x128xi32, #tpu.memory_space<vmem>>, vector<8x128xi32>,
    %reshape3A_65 = vector.shape_cast %convert_element_type3A_60 : vector<1024xi32> to vector<1x1024xi32>
    %swap3A_66 = arith.constant 1 : index
    %swap3A_67 = arith.constant 0 : index
    %swap3A_68 = vector.load %arg4[%swap3A_66, %swap3A_67] : memref<8x1024xi32, #tpu.memory_space<vmem>>, vector<1x1024xi32>
    tpu.vector_store %arg4[%swap3A_66, %swap3A_67], %reshape3A_65 {strides = array<i32>} : memref<8x1024xi32, #tpu.memory_space<vmem>>, vector<1x1024xi32>,
    %get3A_69 = arith.constant 2 : index
    %get3A_70 = arith.constant 0 : index
    %get3A_71 = arith.constant 0 : index
    %get3A_72 = vector.load %arg1[%get3A_69, %get3A_70, %get3A_71] : memref<8x64x1024xf32, #tpu.memory_space<vmem>>, vector<1x64x1024xf32>
    %get3A_73 = vector.shape_cast %get3A_72 : vector<1x64x1024xf32> to vector<64x1024xf32>
    %mul3A_74 = arith.mulf %get3A_73, %get3A_73 : vector<64x1024xf32>
    %reduce_sum3A_75 = arith.constant dense<0.000000e+00> : vector<1024xf32>
    %reduce_sum3A_76 = vector.multi_reduction <add>, %mul3A_74, %reduce_sum3A_75 [0] : vector<64x1024xf32> to vector<1024xf32>
    %broadcast_in_dim3A_77 = vector.shape_cast %reduce_sum3A_76 : vector<1024xf32> to vector<1x1024xf32>
    %dot_general3A_78 = arith.constant dense<0.000000e+00> : vector<1024x1024xf32>
    %dot_general3A_79 = tpu.matmul %add3A, %get3A_73, %dot_general3A_78 {dimension_numbers = #tpu.dot_dimension_numbers<[0], [0], [1], [1], [0, 1, 1, 1], [], []>, transpose_lhs_hint = false} : vector<64x1024xf32>, vector<64x1024xf32>, vector<1024x1024xf32> -> vector<1024x1024xf32>
    %sub3A_80 = vector.broadcast %broadcast_in_dim3A_77 : vector<1x1024xf32> to vector<1024x1024xf32>
    %sub3A_81 = arith.subf %sub3A_80, %dot_general3A_79 : vector<1024x1024xf32>
    %add3A_82 = vector.broadcast %broadcast_in_dim3A : vector<1024x1xf32> to vector<1024x1024xf32>
    %add3A_83 = arith.addf %sub3A_81, %add3A_82 : vector<1024x1024xf32>
    %reduce_min3A_84 = arith.constant dense<0x7F800000> : vector<1024xf32>
    %reduce_min3A_85 = vector.multi_reduction <minimumf>, %add3A_83, %reduce_min3A_84 [0] : vector<1024x1024xf32> to vector<1024xf32>
    %broadcast_in_dim3A_86 = vector.shape_cast %reduce_min3A_85 : vector<1024xf32> to vector<1x1024xf32>
    %iota3A_87 = tpu.iota {dimensions = array<i32: 0>} : vector<1024x1xi32>
    %convert_element_type3A_88 = arith.sitofp %iota3A_87 : vector<1024x1xi32> to vector<1024x1xf32>
    %le3A_89 = vector.broadcast %broadcast_in_dim3A_86 : vector<1x1024xf32> to vector<1024x1024xf32>
    %le3A_90 = arith.cmpf ole, %add3A_83, %le3A_89 : vector<1024x1024xf32>
    %jit3A_91 = arith.constant 1.07374182E+9 : f32
    %broadcast_in_dim3A_92 = vector.shape_cast %convert_element_type3A_88 : vector<1024x1xf32> to vector<1024x1xf32>
    %broadcast_in_dim3A_93 = vector.broadcast %broadcast_in_dim3A_92 : vector<1024x1xf32> to vector<1024x1024xf32>
    %broadcast_in_dim3A_94 = vector.broadcast %jit3A_91 : f32 to vector<1024x1024xf32>
    %select_n3A_95 = arith.select %le3A_90, %broadcast_in_dim3A_93, %broadcast_in_dim3A_94 : vector<1024x1024xi1>, vector<1024x1024xf32>
    %reduce_min3A_96 = arith.constant dense<0x7F800000> : vector<1024xf32>
    %reduce_min3A_97 = vector.multi_reduction <minimumf>, %select_n3A_95, %reduce_min3A_96 [0] : vector<1024x1024xf32> to vector<1024xf32>
    %convert_element_type3A_98 = arith.fptosi %reduce_min3A_97 : vector<1024xf32> to vector<1024xi32>
    %reshape3A_99 = vector.shape_cast %convert_element_type3A_98 : vector<1024xi32> to vector<8x128xi32>
    %swap3A_100 = arith.constant 16 : index
    %swap3A_101 = arith.constant 0 : index
    %swap3A_102 = vector.load %arg3[%swap3A_100, %swap3A_101] : memref<64x128xi32, #tpu.memory_space<vmem>>, vector<8x128xi32>
    tpu.vector_store %arg3[%swap3A_100, %swap3A_101], %reshape3A_99 {strides = array<i32>} : memref<64x128xi32, #tpu.memory_space<vmem>>, vector<8x128xi32>,
    %reshape3A_103 = vector.shape_cast %convert_element_type3A_98 : vector<1024xi32> to vector<1x1024xi32>
    %swap3A_104 = arith.constant 2 : index
    %swap3A_105 = arith.constant 0 : index
    %swap3A_106 = vector.load %arg4[%swap3A_104, %swap3A_105] : memref<8x1024xi32, #tpu.memory_space<vmem>>, vector<1x1024xi32>
    tpu.vector_store %arg4[%swap3A_104, %swap3A_105], %reshape3A_103 {strides = array<i32>} : memref<8x1024xi32, #tpu.memory_space<vmem>>, vector<1x1024xi32>,
    %get3A_107 = arith.constant 3 : index
    %get3A_108 = arith.constant 0 : index
    %get3A_109 = arith.constant 0 : index
    %get3A_110 = vector.load %arg1[%get3A_107, %get3A_108, %get3A_109] : memref<8x64x1024xf32, #tpu.memory_space<vmem>>, vector<1x64x1024xf32>
    %get3A_111 = vector.shape_cast %get3A_110 : vector<1x64x1024xf32> to vector<64x1024xf32>
    %mul3A_112 = arith.mulf %get3A_111, %get3A_111 : vector<64x1024xf32>
    %reduce_sum3A_113 = arith.constant dense<0.000000e+00> : vector<1024xf32>
    %reduce_sum3A_114 = vector.multi_reduction <add>, %mul3A_112, %reduce_sum3A_113 [0] : vector<64x1024xf32> to vector<1024xf32>
    %broadcast_in_dim3A_115 = vector.shape_cast %reduce_sum3A_114 : vector<1024xf32> to vector<1x1024xf32>
    %dot_general3A_116 = arith.constant dense<0.000000e+00> : vector<1024x1024xf32>
    %dot_general3A_117 = tpu.matmul %add3A, %get3A_111, %dot_general3A_116 {dimension_numbers = #tpu.dot_dimension_numbers<[0], [0], [1], [1], [0, 1, 1, 1], [], []>, transpose_lhs_hint = false} : vector<64x1024xf32>, vector<64x1024xf32>, vector<1024x1024xf32> -> vector<1024x1024xf32>
    %sub3A_118 = vector.broadcast %broadcast_in_dim3A_115 : vector<1x1024xf32> to vector<1024x1024xf32>
    %sub3A_119 = arith.subf %sub3A_118, %dot_general3A_117 : vector<1024x1024xf32>
    %add3A_120 = vector.broadcast %broadcast_in_dim3A : vector<1024x1xf32> to vector<1024x1024xf32>
    %add3A_121 = arith.addf %sub3A_119, %add3A_120 : vector<1024x1024xf32>
    %reduce_min3A_122 = arith.constant dense<0x7F800000> : vector<1024xf32>
    %reduce_min3A_123 = vector.multi_reduction <minimumf>, %add3A_121, %reduce_min3A_122 [0] : vector<1024x1024xf32> to vector<1024xf32>
    %broadcast_in_dim3A_124 = vector.shape_cast %reduce_min3A_123 : vector<1024xf32> to vector<1x1024xf32>
    %iota3A_125 = tpu.iota {dimensions = array<i32: 0>} : vector<1024x1xi32>
    %convert_element_type3A_126 = arith.sitofp %iota3A_125 : vector<1024x1xi32> to vector<1024x1xf32>
    %le3A_127 = vector.broadcast %broadcast_in_dim3A_124 : vector<1x1024xf32> to vector<1024x1024xf32>
    %le3A_128 = arith.cmpf ole, %add3A_121, %le3A_127 : vector<1024x1024xf32>
    %jit3A_129 = arith.constant 1.07374182E+9 : f32
    %broadcast_in_dim3A_130 = vector.shape_cast %convert_element_type3A_126 : vector<1024x1xf32> to vector<1024x1xf32>
    %broadcast_in_dim3A_131 = vector.broadcast %broadcast_in_dim3A_130 : vector<1024x1xf32> to vector<1024x1024xf32>
    %broadcast_in_dim3A_132 = vector.broadcast %jit3A_129 : f32 to vector<1024x1024xf32>
    %select_n3A_133 = arith.select %le3A_128, %broadcast_in_dim3A_131, %broadcast_in_dim3A_132 : vector<1024x1024xi1>, vector<1024x1024xf32>
    %reduce_min3A_134 = arith.constant dense<0x7F800000> : vector<1024xf32>
    %reduce_min3A_135 = vector.multi_reduction <minimumf>, %select_n3A_133, %reduce_min3A_134 [0] : vector<1024x1024xf32> to vector<1024xf32>
    %convert_element_type3A_136 = arith.fptosi %reduce_min3A_135 : vector<1024xf32> to vector<1024xi32>
    %reshape3A_137 = vector.shape_cast %convert_element_type3A_136 : vector<1024xi32> to vector<8x128xi32>
    %swap3A_138 = arith.constant 24 : index
    %swap3A_139 = arith.constant 0 : index
    %swap3A_140 = vector.load %arg3[%swap3A_138, %swap3A_139] : memref<64x128xi32, #tpu.memory_space<vmem>>, vector<8x128xi32>
    tpu.vector_store %arg3[%swap3A_138, %swap3A_139], %reshape3A_137 {strides = array<i32>} : memref<64x128xi32, #tpu.memory_space<vmem>>, vector<8x128xi32>,
    %reshape3A_141 = vector.shape_cast %convert_element_type3A_136 : vector<1024xi32> to vector<1x1024xi32>
    %swap3A_142 = arith.constant 3 : index
    %swap3A_143 = arith.constant 0 : index
    %swap3A_144 = vector.load %arg4[%swap3A_142, %swap3A_143] : memref<8x1024xi32, #tpu.memory_space<vmem>>, vector<1x1024xi32>
    tpu.vector_store %arg4[%swap3A_142, %swap3A_143], %reshape3A_141 {strides = array<i32>} : memref<8x1024xi32, #tpu.memory_space<vmem>>, vector<1x1024xi32>,
    %get3A_145 = arith.constant 4 : index
    %get3A_146 = arith.constant 0 : index
    %get3A_147 = arith.constant 0 : index
    %get3A_148 = vector.load %arg1[%get3A_145, %get3A_146, %get3A_147] : memref<8x64x1024xf32, #tpu.memory_space<vmem>>, vector<1x64x1024xf32>
    %get3A_149 = vector.shape_cast %get3A_148 : vector<1x64x1024xf32> to vector<64x1024xf32>
    %mul3A_150 = arith.mulf %get3A_149, %get3A_149 : vector<64x1024xf32>
    %reduce_sum3A_151 = arith.constant dense<0.000000e+00> : vector<1024xf32>
    %reduce_sum3A_152 = vector.multi_reduction <add>, %mul3A_150, %reduce_sum3A_151 [0] : vector<64x1024xf32> to vector<1024xf32>
    %broadcast_in_dim3A_153 = vector.shape_cast %reduce_sum3A_152 : vector<1024xf32> to vector<1x1024xf32>
    %dot_general3A_154 = arith.constant dense<0.000000e+00> : vector<1024x1024xf32>
    %dot_general3A_155 = tpu.matmul %add3A, %get3A_149, %dot_general3A_154 {dimension_numbers = #tpu.dot_dimension_numbers<[0], [0], [1], [1], [0, 1, 1, 1], [], []>, transpose_lhs_hint = false} : vector<64x1024xf32>, vector<64x1024xf32>, vector<1024x1024xf32> -> vector<1024x1024xf32>
    %sub3A_156 = vector.broadcast %broadcast_in_dim3A_153 : vector<1x1024xf32> to vector<1024x1024xf32>
    %sub3A_157 = arith.subf %sub3A_156, %dot_general3A_155 : vector<1024x1024xf32>
    %add3A_158 = vector.broadcast %broadcast_in_dim3A : vector<1024x1xf32> to vector<1024x1024xf32>
    %add3A_159 = arith.addf %sub3A_157, %add3A_158 : vector<1024x1024xf32>
    %reduce_min3A_160 = arith.constant dense<0x7F800000> : vector<1024xf32>
    %reduce_min3A_161 = vector.multi_reduction <minimumf>, %add3A_159, %reduce_min3A_160 [0] : vector<1024x1024xf32> to vector<1024xf32>
    %broadcast_in_dim3A_162 = vector.shape_cast %reduce_min3A_161 : vector<1024xf32> to vector<1x1024xf32>
    %iota3A_163 = tpu.iota {dimensions = array<i32: 0>} : vector<1024x1xi32>
    %convert_element_type3A_164 = arith.sitofp %iota3A_163 : vector<1024x1xi32> to vector<1024x1xf32>
    %le3A_165 = vector.broadcast %broadcast_in_dim3A_162 : vector<1x1024xf32> to vector<1024x1024xf32>
    %le3A_166 = arith.cmpf ole, %add3A_159, %le3A_165 : vector<1024x1024xf32>
    %jit3A_167 = arith.constant 1.07374182E+9 : f32
    %broadcast_in_dim3A_168 = vector.shape_cast %convert_element_type3A_164 : vector<1024x1xf32> to vector<1024x1xf32>
    %broadcast_in_dim3A_169 = vector.broadcast %broadcast_in_dim3A_168 : vector<1024x1xf32> to vector<1024x1024xf32>
    %broadcast_in_dim3A_170 = vector.broadcast %jit3A_167 : f32 to vector<1024x1024xf32>
    %select_n3A_171 = arith.select %le3A_166, %broadcast_in_dim3A_169, %broadcast_in_dim3A_170 : vector<1024x1024xi1>, vector<1024x1024xf32>
    %reduce_min3A_172 = arith.constant dense<0x7F800000> : vector<1024xf32>
    %reduce_min3A_173 = vector.multi_reduction <minimumf>, %select_n3A_171, %reduce_min3A_172 [0] : vector<1024x1024xf32> to vector<1024xf32>
    %convert_element_type3A_174 = arith.fptosi %reduce_min3A_173 : vector<1024xf32> to vector<1024xi32>
    %reshape3A_175 = vector.shape_cast %convert_element_type3A_174 : vector<1024xi32> to vector<8x128xi32>
    %swap3A_176 = arith.constant 32 : index
    %swap3A_177 = arith.constant 0 : index
    %swap3A_178 = vector.load %arg3[%swap3A_176, %swap3A_177] : memref<64x128xi32, #tpu.memory_space<vmem>>, vector<8x128xi32>
    tpu.vector_store %arg3[%swap3A_176, %swap3A_177], %reshape3A_175 {strides = array<i32>} : memref<64x128xi32, #tpu.memory_space<vmem>>, vector<8x128xi32>,
    %reshape3A_179 = vector.shape_cast %convert_element_type3A_174 : vector<1024xi32> to vector<1x1024xi32>
    %swap3A_180 = arith.constant 4 : index
    %swap3A_181 = arith.constant 0 : index
    %swap3A_182 = vector.load %arg4[%swap3A_180, %swap3A_181] : memref<8x1024xi32, #tpu.memory_space<vmem>>, vector<1x1024xi32>
    tpu.vector_store %arg4[%swap3A_180, %swap3A_181], %reshape3A_179 {strides = array<i32>} : memref<8x1024xi32, #tpu.memory_space<vmem>>, vector<1x1024xi32>,
    %get3A_183 = arith.constant 5 : index
    %get3A_184 = arith.constant 0 : index
    %get3A_185 = arith.constant 0 : index
    %get3A_186 = vector.load %arg1[%get3A_183, %get3A_184, %get3A_185] : memref<8x64x1024xf32, #tpu.memory_space<vmem>>, vector<1x64x1024xf32>
    %get3A_187 = vector.shape_cast %get3A_186 : vector<1x64x1024xf32> to vector<64x1024xf32>
    %mul3A_188 = arith.mulf %get3A_187, %get3A_187 : vector<64x1024xf32>
    %reduce_sum3A_189 = arith.constant dense<0.000000e+00> : vector<1024xf32>
    %reduce_sum3A_190 = vector.multi_reduction <add>, %mul3A_188, %reduce_sum3A_189 [0] : vector<64x1024xf32> to vector<1024xf32>
    %broadcast_in_dim3A_191 = vector.shape_cast %reduce_sum3A_190 : vector<1024xf32> to vector<1x1024xf32>
    %dot_general3A_192 = arith.constant dense<0.000000e+00> : vector<1024x1024xf32>
    %dot_general3A_193 = tpu.matmul %add3A, %get3A_187, %dot_general3A_192 {dimension_numbers = #tpu.dot_dimension_numbers<[0], [0], [1], [1], [0, 1, 1, 1], [], []>, transpose_lhs_hint = false} : vector<64x1024xf32>, vector<64x1024xf32>, vector<1024x1024xf32> -> vector<1024x1024xf32>
    %sub3A_194 = vector.broadcast %broadcast_in_dim3A_191 : vector<1x1024xf32> to vector<1024x1024xf32>
    %sub3A_195 = arith.subf %sub3A_194, %dot_general3A_193 : vector<1024x1024xf32>
    %add3A_196 = vector.broadcast %broadcast_in_dim3A : vector<1024x1xf32> to vector<1024x1024xf32>
    %add3A_197 = arith.addf %sub3A_195, %add3A_196 : vector<1024x1024xf32>
    %reduce_min3A_198 = arith.constant dense<0x7F800000> : vector<1024xf32>
    %reduce_min3A_199 = vector.multi_reduction <minimumf>, %add3A_197, %reduce_min3A_198 [0] : vector<1024x1024xf32> to vector<1024xf32>
    %broadcast_in_dim3A_200 = vector.shape_cast %reduce_min3A_199 : vector<1024xf32> to vector<1x1024xf32>
    %iota3A_201 = tpu.iota {dimensions = array<i32: 0>} : vector<1024x1xi32>
    %convert_element_type3A_202 = arith.sitofp %iota3A_201 : vector<1024x1xi32> to vector<1024x1xf32>
    %le3A_203 = vector.broadcast %broadcast_in_dim3A_200 : vector<1x1024xf32> to vector<1024x1024xf32>
    %le3A_204 = arith.cmpf ole, %add3A_197, %le3A_203 : vector<1024x1024xf32>
    %jit3A_205 = arith.constant 1.07374182E+9 : f32
    %broadcast_in_dim3A_206 = vector.shape_cast %convert_element_type3A_202 : vector<1024x1xf32> to vector<1024x1xf32>
    %broadcast_in_dim3A_207 = vector.broadcast %broadcast_in_dim3A_206 : vector<1024x1xf32> to vector<1024x1024xf32>
    %broadcast_in_dim3A_208 = vector.broadcast %jit3A_205 : f32 to vector<1024x1024xf32>
    %select_n3A_209 = arith.select %le3A_204, %broadcast_in_dim3A_207, %broadcast_in_dim3A_208 : vector<1024x1024xi1>, vector<1024x1024xf32>
    %reduce_min3A_210 = arith.constant dense<0x7F800000> : vector<1024xf32>
    %reduce_min3A_211 = vector.multi_reduction <minimumf>, %select_n3A_209, %reduce_min3A_210 [0] : vector<1024x1024xf32> to vector<1024xf32>
    %convert_element_type3A_212 = arith.fptosi %reduce_min3A_211 : vector<1024xf32> to vector<1024xi32>
    %reshape3A_213 = vector.shape_cast %convert_element_type3A_212 : vector<1024xi32> to vector<8x128xi32>
    %swap3A_214 = arith.constant 40 : index
    %swap3A_215 = arith.constant 0 : index
    %swap3A_216 = vector.load %arg3[%swap3A_214, %swap3A_215] : memref<64x128xi32, #tpu.memory_space<vmem>>, vector<8x128xi32>
    tpu.vector_store %arg3[%swap3A_214, %swap3A_215], %reshape3A_213 {strides = array<i32>} : memref<64x128xi32, #tpu.memory_space<vmem>>, vector<8x128xi32>,
    %reshape3A_217 = vector.shape_cast %convert_element_type3A_212 : vector<1024xi32> to vector<1x1024xi32>
    %swap3A_218 = arith.constant 5 : index
    %swap3A_219 = arith.constant 0 : index
    %swap3A_220 = vector.load %arg4[%swap3A_218, %swap3A_219] : memref<8x1024xi32, #tpu.memory_space<vmem>>, vector<1x1024xi32>
    tpu.vector_store %arg4[%swap3A_218, %swap3A_219], %reshape3A_217 {strides = array<i32>} : memref<8x1024xi32, #tpu.memory_space<vmem>>, vector<1x1024xi32>,
    %get3A_221 = arith.constant 6 : index
    %get3A_222 = arith.constant 0 : index
    %get3A_223 = arith.constant 0 : index
    %get3A_224 = vector.load %arg1[%get3A_221, %get3A_222, %get3A_223] : memref<8x64x1024xf32, #tpu.memory_space<vmem>>, vector<1x64x1024xf32>
    %get3A_225 = vector.shape_cast %get3A_224 : vector<1x64x1024xf32> to vector<64x1024xf32>
    %mul3A_226 = arith.mulf %get3A_225, %get3A_225 : vector<64x1024xf32>
    %reduce_sum3A_227 = arith.constant dense<0.000000e+00> : vector<1024xf32>
    %reduce_sum3A_228 = vector.multi_reduction <add>, %mul3A_226, %reduce_sum3A_227 [0] : vector<64x1024xf32> to vector<1024xf32>
    %broadcast_in_dim3A_229 = vector.shape_cast %reduce_sum3A_228 : vector<1024xf32> to vector<1x1024xf32>
    %dot_general3A_230 = arith.constant dense<0.000000e+00> : vector<1024x1024xf32>
    %dot_general3A_231 = tpu.matmul %add3A, %get3A_225, %dot_general3A_230 {dimension_numbers = #tpu.dot_dimension_numbers<[0], [0], [1], [1], [0, 1, 1, 1], [], []>, transpose_lhs_hint = false} : vector<64x1024xf32>, vector<64x1024xf32>, vector<1024x1024xf32> -> vector<1024x1024xf32>
    %sub3A_232 = vector.broadcast %broadcast_in_dim3A_229 : vector<1x1024xf32> to vector<1024x1024xf32>
    %sub3A_233 = arith.subf %sub3A_232, %dot_general3A_231 : vector<1024x1024xf32>
    %add3A_234 = vector.broadcast %broadcast_in_dim3A : vector<1024x1xf32> to vector<1024x1024xf32>
    %add3A_235 = arith.addf %sub3A_233, %add3A_234 : vector<1024x1024xf32>
    %reduce_min3A_236 = arith.constant dense<0x7F800000> : vector<1024xf32>
    %reduce_min3A_237 = vector.multi_reduction <minimumf>, %add3A_235, %reduce_min3A_236 [0] : vector<1024x1024xf32> to vector<1024xf32>
    %broadcast_in_dim3A_238 = vector.shape_cast %reduce_min3A_237 : vector<1024xf32> to vector<1x1024xf32>
    %iota3A_239 = tpu.iota {dimensions = array<i32: 0>} : vector<1024x1xi32>
    %convert_element_type3A_240 = arith.sitofp %iota3A_239 : vector<1024x1xi32> to vector<1024x1xf32>
    %le3A_241 = vector.broadcast %broadcast_in_dim3A_238 : vector<1x1024xf32> to vector<1024x1024xf32>
    %le3A_242 = arith.cmpf ole, %add3A_235, %le3A_241 : vector<1024x1024xf32>
    %jit3A_243 = arith.constant 1.07374182E+9 : f32
    %broadcast_in_dim3A_244 = vector.shape_cast %convert_element_type3A_240 : vector<1024x1xf32> to vector<1024x1xf32>
    %broadcast_in_dim3A_245 = vector.broadcast %broadcast_in_dim3A_244 : vector<1024x1xf32> to vector<1024x1024xf32>
    %broadcast_in_dim3A_246 = vector.broadcast %jit3A_243 : f32 to vector<1024x1024xf32>
    %select_n3A_247 = arith.select %le3A_242, %broadcast_in_dim3A_245, %broadcast_in_dim3A_246 : vector<1024x1024xi1>, vector<1024x1024xf32>
    %reduce_min3A_248 = arith.constant dense<0x7F800000> : vector<1024xf32>
    %reduce_min3A_249 = vector.multi_reduction <minimumf>, %select_n3A_247, %reduce_min3A_248 [0] : vector<1024x1024xf32> to vector<1024xf32>
    %convert_element_type3A_250 = arith.fptosi %reduce_min3A_249 : vector<1024xf32> to vector<1024xi32>
    %reshape3A_251 = vector.shape_cast %convert_element_type3A_250 : vector<1024xi32> to vector<8x128xi32>
    %swap3A_252 = arith.constant 48 : index
    %swap3A_253 = arith.constant 0 : index
    %swap3A_254 = vector.load %arg3[%swap3A_252, %swap3A_253] : memref<64x128xi32, #tpu.memory_space<vmem>>, vector<8x128xi32>
    tpu.vector_store %arg3[%swap3A_252, %swap3A_253], %reshape3A_251 {strides = array<i32>} : memref<64x128xi32, #tpu.memory_space<vmem>>, vector<8x128xi32>,
    %reshape3A_255 = vector.shape_cast %convert_element_type3A_250 : vector<1024xi32> to vector<1x1024xi32>
    %swap3A_256 = arith.constant 6 : index
    %swap3A_257 = arith.constant 0 : index
    %swap3A_258 = vector.load %arg4[%swap3A_256, %swap3A_257] : memref<8x1024xi32, #tpu.memory_space<vmem>>, vector<1x1024xi32>
    tpu.vector_store %arg4[%swap3A_256, %swap3A_257], %reshape3A_255 {strides = array<i32>} : memref<8x1024xi32, #tpu.memory_space<vmem>>, vector<1x1024xi32>,
    %get3A_259 = arith.constant 7 : index
    %get3A_260 = arith.constant 0 : index
    %get3A_261 = arith.constant 0 : index
    %get3A_262 = vector.load %arg1[%get3A_259, %get3A_260, %get3A_261] : memref<8x64x1024xf32, #tpu.memory_space<vmem>>, vector<1x64x1024xf32>
    %get3A_263 = vector.shape_cast %get3A_262 : vector<1x64x1024xf32> to vector<64x1024xf32>
    %mul3A_264 = arith.mulf %get3A_263, %get3A_263 : vector<64x1024xf32>
    %reduce_sum3A_265 = arith.constant dense<0.000000e+00> : vector<1024xf32>
    %reduce_sum3A_266 = vector.multi_reduction <add>, %mul3A_264, %reduce_sum3A_265 [0] : vector<64x1024xf32> to vector<1024xf32>
    %broadcast_in_dim3A_267 = vector.shape_cast %reduce_sum3A_266 : vector<1024xf32> to vector<1x1024xf32>
    %dot_general3A_268 = arith.constant dense<0.000000e+00> : vector<1024x1024xf32>
    %dot_general3A_269 = tpu.matmul %add3A, %get3A_263, %dot_general3A_268 {dimension_numbers = #tpu.dot_dimension_numbers<[0], [0], [1], [1], [0, 1, 1, 1], [], []>, transpose_lhs_hint = false} : vector<64x1024xf32>, vector<64x1024xf32>, vector<1024x1024xf32> -> vector<1024x1024xf32>
    %sub3A_270 = vector.broadcast %broadcast_in_dim3A_267 : vector<1x1024xf32> to vector<1024x1024xf32>
    %sub3A_271 = arith.subf %sub3A_270, %dot_general3A_269 : vector<1024x1024xf32>
    %add3A_272 = vector.broadcast %broadcast_in_dim3A : vector<1024x1xf32> to vector<1024x1024xf32>
    %add3A_273 = arith.addf %sub3A_271, %add3A_272 : vector<1024x1024xf32>
    %reduce_min3A_274 = arith.constant dense<0x7F800000> : vector<1024xf32>
    %reduce_min3A_275 = vector.multi_reduction <minimumf>, %add3A_273, %reduce_min3A_274 [0] : vector<1024x1024xf32> to vector<1024xf32>
    %broadcast_in_dim3A_276 = vector.shape_cast %reduce_min3A_275 : vector<1024xf32> to vector<1x1024xf32>
    %iota3A_277 = tpu.iota {dimensions = array<i32: 0>} : vector<1024x1xi32>
    %convert_element_type3A_278 = arith.sitofp %iota3A_277 : vector<1024x1xi32> to vector<1024x1xf32>
    %le3A_279 = vector.broadcast %broadcast_in_dim3A_276 : vector<1x1024xf32> to vector<1024x1024xf32>
    %le3A_280 = arith.cmpf ole, %add3A_273, %le3A_279 : vector<1024x1024xf32>
    %jit3A_281 = arith.constant 1.07374182E+9 : f32
    %broadcast_in_dim3A_282 = vector.shape_cast %convert_element_type3A_278 : vector<1024x1xf32> to vector<1024x1xf32>
    %broadcast_in_dim3A_283 = vector.broadcast %broadcast_in_dim3A_282 : vector<1024x1xf32> to vector<1024x1024xf32>
    %broadcast_in_dim3A_284 = vector.broadcast %jit3A_281 : f32 to vector<1024x1024xf32>
    %select_n3A_285 = arith.select %le3A_280, %broadcast_in_dim3A_283, %broadcast_in_dim3A_284 : vector<1024x1024xi1>, vector<1024x1024xf32>
    %reduce_min3A_286 = arith.constant dense<0x7F800000> : vector<1024xf32>
    %reduce_min3A_287 = vector.multi_reduction <minimumf>, %select_n3A_285, %reduce_min3A_286 [0] : vector<1024x1024xf32> to vector<1024xf32>
    %convert_element_type3A_288 = arith.fptosi %reduce_min3A_287 : vector<1024xf32> to vector<1024xi32>
    %reshape3A_289 = vector.shape_cast %convert_element_type3A_288 : vector<1024xi32> to vector<8x128xi32>
    %swap3A_290 = arith.constant 56 : index
    %swap3A_291 = arith.constant 0 : index
    %swap3A_292 = vector.load %arg3[%swap3A_290, %swap3A_291] : memref<64x128xi32, #tpu.memory_space<vmem>>, vector<8x128xi32>
    tpu.vector_store %arg3[%swap3A_290, %swap3A_291], %reshape3A_289 {strides = array<i32>} : memref<64x128xi32, #tpu.memory_space<vmem>>, vector<8x128xi32>,
    %reshape3A_293 = vector.shape_cast %convert_element_type3A_288 : vector<1024xi32> to vector<1x1024xi32>
    %swap3A_294 = arith.constant 7 : index
    %swap3A_295 = arith.constant 0 : index
    %swap3A_296 = vector.load %arg4[%swap3A_294, %swap3A_295] : memref<8x1024xi32, #tpu.memory_space<vmem>>, vector<1x1024xi32>
    tpu.vector_store %arg4[%swap3A_294, %swap3A_295], %reshape3A_293 {strides = array<i32>} : memref<8x1024xi32, #tpu.memory_space<vmem>>, vector<1x1024xi32>,
    %swap3A_297 = arith.constant 0 : index
    %swap3A_298 = arith.constant 0 : index
    %swap3A_299 = vector.load %arg5[%swap3A_297, %swap3A_298] : memref<1024x128xf32, #tpu.memory_space<vmem>>, vector<1024x64xf32>
    tpu.vector_store %arg5[%swap3A_297, %swap3A_298], %transpose3A {strides = array<i32>} : memref<1024x128xf32, #tpu.memory_space<vmem>>, vector<1024x64xf32>,
    %broadcast_in_dim3A_300 = arith.constant 0.000000e+00 : f32
    %broadcast_in_dim3A_301 = vector.broadcast %broadcast_in_dim3A_300 : f32 to vector<1024x64xf32>
    %swap3A_302 = arith.constant 0 : index
    %swap3A_303 = arith.constant 64 : index
    %swap3A_304 = vector.load %arg5[%swap3A_302, %swap3A_303] : memref<1024x128xf32, #tpu.memory_space<vmem>>, vector<1024x64xf32>
    tpu.vector_store %arg5[%swap3A_302, %swap3A_303], %broadcast_in_dim3A_301 {strides = array<i32>} : memref<1024x128xf32, #tpu.memory_space<vmem>>, vector<1024x64xf32>,
    return
  }
  func.func @transform_0(%arg0: i32) -> (i32, i32, i32) {
    %c0_i32 = arith.constant 0 : i32
    %c0_i32_0 = arith.constant 0 : i32
    %c0_i32_1 = arith.constant 0 : i32
    return %arg0, %c0_i32, %c0_i32_0 : i32, i32, i32
  }
  func.func @transform_1(%arg0: i32) -> (i32, i32) {
    %c0_i32 = arith.constant 0 : i32
    %c0_i32_0 = arith.constant 0 : i32
    %c0_i32_1 = arith.constant 0 : i32
    return %c0_i32, %c0_i32_0 : i32, i32
  }
  func.func @transform_2(%arg0: i32) -> (i32, i32) {
    %c0_i32 = arith.constant 0 : i32
    %c0_i32_0 = arith.constant 0 : i32
    return %arg0, %c0_i32 : i32, i32
  }
  func.func @transform_3(%arg0: i32) -> (i32, i32) {
    %c0_i32 = arith.constant 0 : i32
    %c0_i32_0 = arith.constant 0 : i32
    return %arg0, %c0_i32 : i32, i32
  }
  func.func @transform_4(%arg0: i32) -> (i32, i32) {
    %c0_i32 = arith.constant 0 : i32
    %c0_i32_0 = arith.constant 0 : i32
    %c0_i32_1 = arith.constant 0 : i32
    return %c0_i32, %c0_i32_0 : i32, i32
  }
}

</mosaic_0001>

<sc_bundles>
// kernel: kernel.4.cloned.1.call-start
scs
__scs_entry_jumppad:
0x0: {  	(pc) =	sbr.rel $0x88, $3  }
0x1: {  	(tag) =	ssettag $0x0;
	lr =	simm.s32 $0x1  }
0x2: {  	[smem:$0x3F9F] =	sst lr;
	_ =	strace $0xD0000000  }
0x3: {  	_ = 	snop  }
0x4: {  	_ = 	snop  }
0x5: {  	_ = 	snop  }
0x6: {  	_ = 	snop  }
0x7: {  	_ = 	snop  }
__scs_overlays_trampoline_lowered:
0x8: {  	[smem:$0x3FAE] =	sst s0  }
0x9: {  	[smem:$0x3FAF] =	sst s1  }
0xa: {  	[smem:$0x3FB0] =	sst s2  }
0xb: {  	[smem:$0x3FB1] =	sst s3  }
0xc: {  	[smem:$0x3FB2] =	sst s4  }
0xd: {  	[smem:$0x3FB3] =	sst s5  }
0xe: {  	[smem:$0x3FB4] =	sst s6  }
0xf: {  	[smem:$0x3FB5] =	sst s7  }
0x10: {  	[smem:$0x3FB6] =	sst s8  }
0x11: {  	[smem:$0x3FB7] =	sst s9;
	s0 =	simm.s32 @!p0 $0x0  }
0x12: {  	s1 =	sld [smem:$0x3F9D];
	s0 =	simm.s32 @p0 $0x1  }
0x13: {  	[smem:$0x3FB8] =	sst s0;
	s0 =	simm.s32 @!p1 $0x0  }
0x14: {  	s2 =	sld [smem:$0x3F9C];
	s0 =	simm.s32 @p1 $0x1  }
0x15: {  	[smem:$0x3FB9] =	sst s0;
	s0 =	simm.s32 @!p2 $0x0  }
0x16: {  	s3 =	sld [smem:$0x3FDB];
	s0 =	simm.s32 @p2 $0x1  }
0x17: {  	s4 =	simm.s32 $0x1BF5;
	[smem:$0x3FBB] =	sst s0  }
0x18: {  	s0 =	sld [smem:$0x3F9E];
	_ =	swait.ge [sflag:s4], $0x0  }
0x19: {  	s7 =	sld [smem:$0x3F9F]  }
0x1a: {  	s8 =	sadd.s32 $0xFFFFE003, lr  }
0x1b: {  	s9 =	sadd.s32 $0xFFFFFEF7, lr;
	s5 =	simm.s32 $0xFFFFFFFF;
	p2 =	slt.u32 s8, $0xFFFFF086  }
0x1c: {  	p1 =	slt.u32 s9, $0xF7A;
	s5 =	simm.s32 @!p2 $0x0  }
0x1d: {  	s5 =	simm.s32 @p1 $0x1;
	p0 =	seq.s32 s7, s2  }
0x1e: {  	s7 =	smul.u32 @!p0 $0xF7A, s2;
	p2 =	seq.s32 @!p0 s5, $0x0  }
0x1f: {  	s9 =	smul.u32 $0xF7A, s1;
	s8 =	simm.s32 @!p0 $0x1BF5;
	p2 =	por !p2, p0  }
0x20: {  	[sflag:s8] =	ssyncset.s32 @!p0 $0xFFFFF086;
	s6 =	sadd.s32 @!p0 s3, s7;
	s7 =	simm.s32 @!p0 $0x108  }
0x21: {  	s3 =	sadd.s32 s3, s9;
	s6 =	sadd.s32 @!p0 $0x88, s6;
	s7 =	simm.s32 @p2 $0x1082  }
0x22: {  	[simem:s7], [sflag:s8] =	dma.local @!p0 [hbm:s6], $0xF7A  }
0x23: {  	s9 =	sor.u32 $0xD0000000, s2;
	s6 =	simm.s32 $0x108;
	_ =	swait.ge @!p0 [sflag:s8], $0x0  }
0x24: {  	s3 =	sadd.s32 $0x88, s3;
	s6 =	simm.s32 @!p1 $0x1082;
	[sflag:s4] =	ssyncset.s32 $0xFFFFF086  }
0x25: {  	[simem:s6], [sflag:s4] =	dma.local [hbm:s3], $0xF7A  }
0x26: {  	[smem:$0x3F9F] =	sst s1;
	(tag) =	ssettag s2;
	_ =	strace s9  }
0x27: {  	s1 =	sld [smem:$0x3FAF]  }
0x28: {  	s2 =	sld [smem:$0x3FB0]  }
0x29: {  	s4 =	sld [smem:$0x3FB2]  }
0x2a: {  	p0 =	seq.s32 s5, $0x0;
	s5 =	sld [smem:$0x3FB3]  }
0x2b: {  	s6 =	sld [smem:$0x3FB4]  }
0x2c: {  	s7 =	sld [smem:$0x3FB5]  }
0x2d: {  	s3 =	simm.s32 $0x108;
	s8 =	sld [smem:$0x3FB6]  }
0x2e: {  	s3 =	simm.s32 @!p0 $0x1082;
	s9 =	sld [smem:$0x3FB7]  }
0x2f: {  	lr =	sadd.s32 s0, s3;
	s0 =	sld [smem:$0x3FAE]  }
0x30: {  	s3 =	sld [smem:$0x3FB1]  }
0x31: {  	[smem:$0x3FBA] =	sst s10  }
0x32: {  	s10 =	sld [smem:$0x3FB8];
	_ =	sdelay $0x3  }
0x33: {  	p0 =	seq.s32 s10, $0x1;
	s10 =	sld [smem:$0x3FBA];
	_ =	sdelay $0x3  }
0x34: {  	[smem:$0x3FBA] =	sst s10  }
0x35: {  	s10 =	sld [smem:$0x3FB9];
	_ =	sdelay $0x3  }
0x36: {  	p1 =	seq.s32 s10, $0x1;
	s10 =	sld [smem:$0x3FBA];
	_ =	sdelay $0x3  }
0x37: {  	[smem:$0x3FBA] =	sst s10  }
0x38: {  	s10 =	sld [smem:$0x3FBB]  }
0x39: {  	_ = 	snop;
	(pc) =	sbr.ind lr, $3  }
0x3a: {  	_ = 	snop  }
0x3b: {  	_ = 	snop  }
0x3c: {  	p2 =	seq.s32 s10, $0x1;
	s10 =	sld [smem:$0x3FBA]  }
0x3d: {  	_ =	shalt  }
0x3e: {  	_ =	shalt  }
0x3f: {  	_ =	shalt  }
0x40: {  	_ =	shalt  }
0x41: {  	_ =	shalt  }
0x42: {  	_ =	shalt  }
0x43: {  	_ =	shalt  }
0x44: {  	_ =	shalt  }
0x45: {  	_ =	shalt  }
0x46: {  	_ =	shalt  }
0x47: {  	_ =	shalt  }
0x48: {  	_ =	shalt  }
0x49: {  	_ =	shalt  }
0x4a: {  	_ =	shalt  }
0x4b: {  	_ =	shalt  }
0x4c: {  	_ =	shalt  }
0x4d: {  	_ =	shalt  }
0x4e: {  	_ =	shalt  }
0x4f: {  	_ =	shalt  }
0x50: {  	_ =	shalt  }
0x51: {  	_ =	shalt  }
0x52: {  	_ =	shalt  }
0x53: {  	_ =	shalt  }
0x54: {  	_ =	shalt  }
0x55: {  	_ =	shalt  }
0x56: {  	_ =	shalt  }
0x57: {  	_ =	shalt  }
0x58: {  	_ =	shalt  }
0x59: {  	_ =	shalt  }
0x5a: {  	_ =	shalt  }
0x5b: {  	_ =	shalt  }
0x5c: {  	_ =	shalt  }
0x5d: {  	_ =	shalt  }
0x5e: {  	_ =	shalt  }
0x5f: {  	_ =	shalt  }
0x60: {  	_ =	shalt  }
0x61: {  	_ =	shalt  }
0x62: {  	_ =	shalt  }
0x63: {  	_ =	shalt  }
0x64: {  	_ =	shalt  }
0x65: {  	_ =	shalt  }
0x66: {  	_ =	shalt  }
0x67: {  	_ =	shalt  }
0x68: {  	_ =	shalt  }
0x69: {  	_ =	shalt  }
0x6a: {  	_ =	shalt  }
0x6b: {  	_ =	shalt  }
0x6c: {  	_ =	shalt  }
0x6d: {  	_ =	shalt  }
0x6e: {  	_ =	shalt  }
0x6f: {  	_ =	shalt  }
0x70: {  	_ =	shalt  }
0x71: {  	_ =	shalt  }
0x72: {  	_ =	shalt  }
0x73: {  	_ =	shalt  }
0x74: {  	_ =	shalt  }
0x75: {  	_ =	shalt  }
0x76: {  	_ =	shalt  }
0x77: {  	_ =	shalt  }
0x78: {  	_ =	shalt  }
0x79: {  	_ =	shalt  }
0x7a: {  	_ =	shalt  }
0x7b: {  	_ =	shalt  }
0x7c: {  	_ =	shalt  }
0x7d: {  	_ =	shalt  }
0x7e: {  	_ =	shalt  }
0x7f: {  	_ =	shalt  }
0x80: {  	_ =	shalt  }
0x81: {  	_ =	shalt  }
0x82: {  	_ =	shalt  }
0x83: {  	_ =	shalt  }
0x84: {  	_ =	shalt  }
0x85: {  	_ =	shalt  }
0x86: {  	_ =	shalt  }
0x87: {  	_ =	shalt  }
.Lfunc_end0:
.L_simem_size_0:
called_computation_lowered:
.L_overlay_start_0:
0x88: {  	s2 =	sld [smem:$0x3FD9]  }
0x89: {  	s3 =	sld [smem:$0x3FFE];
	_ =	sdelay $0x1  }
0x8a: {  	s1 =	srdreg.scid  }
0x8b: {  	s0 =	sand.u32 $0x1, s1  }
0x8c: {  	s14 =	sshll.u32 s0, $0xA;
	s2 =	sadd.s32 s3, s2  }
0x8d: {  	s2 =	sadd.s32 s2, s14  }
0x8e: {  	[smem:$0x3FC6] =	sst s2  }
0x8f: {  	_ = 	snop  }
0x90: {  	s2 =	sld [smem:$0x3FD0];
	_ =	sdelay $0x2  }
0x91: {  	s15 =	simm.s32 $0xA;
	s4 =	simm.s32 $0x10  }
0x92: {  	[smem:s4], [sflag:s15] =	dma.local [hbm:s2], $0x1  }
0x93: {  	_ =	swait.eq [sflag:s15], $0x1  }
0x94: {  	[sflag:s15] =	ssyncset.done $0x0  }
0x95: {  	[sflag:s15] =	ssyncadd.s32 $0xFFFFFFFF  }
0x96: {  	s16 =	sld [smem:$0x10];
	(tm) =	ssettm $0x1  }
0x97: {  	s17 =	sld [smem:$0x3FFB];
	_ =	sdelay $0x3  }
0x98: {  	_ =	strace s17  }
0x99: {  	s3 =	sld [smem:$0x3FFC];
	_ =	sdelay $0x3  }
0x9a: {  	_ =	strace s3  }
0x9b: {  	s3 =	sld [smem:$0x3FFD];
	_ =	sdelay $0x3  }
0x9c: {  	_ =	strace s3  }
0x9d: {  	_ =	strace $0x8FFFFFFF  }
0x9e: {  	s18 =	sld [smem:$0x3FDB];
	_ =	sdelay $0x1  }
0x9f: {  	s19 =	simm.s32 $_scs_section_size  }
0xa0: {  	s5 =	simm.s32 $_size__tile_overlayer_lowered;
	s6 =	simm.s32 $_tile_overlayer_lowered  }
0xa1: {  	s22 =	simm.s32 $0x1BFF;
	s21 =	sshll.u32 s6, $0x1;
	s3 =	sadd.s32 s19, s18  }
0xa2: {  	s7 =	simm.s32 $0x0;
	s20 =	sshll.u32 s5, $0x1;
	s5 =	sadd.s32 s21, s3  }
0xa3: {  	[timem:s7], [sflag:s22] =	dma.local [hbm:s5], s20  }
0xa4: {  	_ =	swait.ge [sflag:s22], s20  }
0xa5: {  	s4 =	ssub.s32 $0x0, s20;
	[sflag:s22] =	ssyncset.done $0x0  }
0xa6: {  	[sflag:s22] =	ssyncadd.s32 s4;
	_ =	sdelay $0x1  }
0xa7: {  	s23 =	simm.s32 $0x1B8B  }
0xa8: {  	_ =	swait.ge [sflag:s23], $0x1  }
0xa9: {  	[sflag:s23] =	ssyncset.done $0x0  }
0xaa: {  	s25 =	simm.s32 $0x1B8E;
	s24 =	sld [smem:$0x3FFE];
	[sflag:s23] =	ssyncadd.s32 $0xFFFFFFFF  }
0xab: {  	s26 =	simm.s32 $execute0_lowered;
	[smem:$0x3FD2] =	sst s25  }
0xac: {  	s5 =	sshll.u32 s26, $0x1;
	_ =	strace $0x80000046;
	[dreg:$0x1] =	wrdreg $0xFFFFFFFF  }
0xad: {  	s28 =	simm.s32 $_size_execute0_lowered;
	s3 =	sadd.s32 s3, s5;
	[dreg:$0x0] =	wrdreg $0x0  }
0xae: {  	s5 =	sshll.u32 s28, $0x1;
	[dreg:$0x2] =	wrdreg s3  }
0xaf: {  	[dreg:$0x3] =	wrdreg s5  }
0xb0: {  	[dreg:$0x4] =	wrdreg $0xC0  }
0xb1: {  	_ =	task [dreg:s7], $0x5FFFF  }
0xb2: {  	[dreg:$0x1] =	wrdreg $0xFFFFFFFF  }
0xb3: {  	[dreg:$0x0] =	wrdreg $0x60  }
0xb4: {  	[dreg:$0x2] =	wrdreg s16  }
0xb5: {  	[dreg:$0x3] =	wrdreg s24  }
0xb6: {  	[dreg:$0x4] =	wrdreg $0x9  }
0xb7: {  	_ =	task.clear_ibuf [dreg:s7], $0x5FFFF;
	_ =	strace $0x90000046  }
0xb8: {  	s29 =	simm.s32 $0x9;
	_ =	strace $0x80000048  }
0xb9: {  	_ =	swait.ge [sflag:s29], $0x1  }
0xba: {  	[sflag:s29] =	ssyncadd.s32 $0xFFFFFFFF  }
0xbb: {  	_ =	strace $0x90000048  }
0xbc: {  	_ =	sfence  }
0xbd: {  	s30 =	sld [smem:$0x0];
	_ =	sdelay $0x2  }
0xbe: {  	s31 =	sshll.u32 s1, $0xD;
	s1 =	sshrl.u32 s1, $0x2  }
0xbf: {  	s3 =	sand.u32 $0x4000, s31;
	s1 =	sadd.s32 s1, s30  }
0xc0: {  	s0 =	sor.u32 s3, s0;
	s1 =	sshll.u32 s1, $0x11  }
0xc1: {  	s0 =	sor.u32 s1, s0  }
0xc2: {  	s0 =	sadd.s32 $0x8F2B, s0  }
0xc3: {  	[sflag:s0] =	ssyncadd.remote.s32 $0x1  }
0xc4: {  	_ =	sfence.sel $0xFFFF  }
0xc5: {  	[dreg:$0x0] =	wrdreg $0xFFFFFFFF;
	(pc) =	sbr.abs _section_cstart, $3  }
0xc6: {  	[dreg:$0x1] =	wrdreg $0xFFFFFFFF  }
0xc7: {  	_ =	task.clear_ibuf [dreg:s7], $0x2FFFF;
	_ =	strace $0x9FFFFFFF  }
0xc8: {  	(tm) =	ssettm $0x7FFFFFFF  }
0xc9: {  	_ =	shalt  }
tec
execute0_lowered:
.L_overlay_start_1:
0x0: {  	(tag) =	ssettag $0x1  }
0x1: {  	s1 =	srdreg.scid  }
0x2: {  	s0 =	stileid.u32;
	s10 =	sand.u32 $0x1, s1  }
0x3: {  	s2 =	rddreg [dreg:$0x0];
	s29 =	sshll.u32 s0, $0x2;
	s3 =	sshll.u32 s10, $0x1  }
0x4: {  	s11 =	rddreg [dreg:$0x1];
	s12 =	sor.u32 s3, s29  }
0x5: {  	s1 =	rddreg [dreg:$0x2];
	s3 =	simm.s32 $0x0;
	s4 =	sshll.u32 s12, $0x4  }
0x6: {  	[smem:$0x7FF] =	sst s3;
	s4 =	sadd.s32 s4, s11  }
0x7: {  	_ =	strace $0x80000047;
	s5 =	sadd.s32 $0xE00, s4;
	s4 =	simm.s32 $0x2  }
0x8: {  	[tilespmem:s3], [sflag:$0x2] =	stream.linear.gather [hbm4b:s5+s3], $0x100, $0x38;
	[tilespmem:$0x8100] =	vst v63  }
0x9: {  	_ =	swait.ge [sflag:s4], $0x100  }
0xa: {  	[sflag:s4] =	ssyncset.done $0x0  }
0xb: {  	s6 =	simm.s32 $0x80;
	s7 =	simm.s32 $0x100;
	[sflag:s4] =	ssyncadd.s32 $0xFFFFFF00  }
0xc: {  	[tilespmem:s7], [sflag:$0x1] =	stream.indirect.gather [hbm4b:s2+s6], $0x80, s3, s6, $0xb8;
	[tilespmem:$0x8100] =	vst v63  }
0xd: {  	s8 =	simm.s32 $0x4100;
	s9 =	simm.s32 $0x1;
	s10 =	ssub.s32 $0x2, s10  }
0xe: {  	[tilespmem:s8], [sflag:$0x1] =	stream.indirect.gather [hbm4b:s2+s6], $0x80, s6, s6, $0xb8;
	[tilespmem:$0x8100] =	vst v63  }
0xf: {  	s13 =	sshrl.u32 s10, $0x1;
	_ =	swait.ge [sflag:s9], $0x4000  }
0x10: {  	s30 =	ssub.s32 s10, s13;
	[sflag:s9] =	ssyncset.done $0x0  }
0x11: {  	s31 =	smax.u32 s30, $0x1;
	[sflag:s9] =	ssyncadd.s32 $0xFFFFC000  }
0x12: {  	s12 =	sshll.u32 s12, $0xB;
	p0 =	sne.s32 s31, $0x1;
	_ =	swait.ge [sflag:s9], $0x4000  }
.Ltmp0:
0x13: {  	s11 =	sadd.s32 s12, s11;
	[sflag:s9] =	ssyncset.done $0x0;
	(pc) =	sbr.rel @!p0 .LBB2_2-.Ltmp0, $4  }
0x14: {  	s10 =	sadd.s32 $0x1200, s11;
	[sflag:s9] =	ssyncadd.s32 $0xFFFFC000  }
0x15: {  	[hbm4b:s10+s3] =	stream.linear.scatter [tilespmem:s7], [sflag:$0x2], $0x8000, $0x38;
	[tilespmem:$0x8100] =	vst v63  }
0x16: {  	_ =	swait.ge [sflag:s4], $0x8000  }
0x17: {  	s11 =	sadd.s32 $0xFFFFFFFF, s31;
	[sflag:s4] =	ssyncset.done $0x0  }
.LBB2_1:
0x18: {  	p0 =	sne.s32 s11, $0x1;
	s11 =	sadd.s32 $0xFFFFFFFF, s11;
	[sflag:s4] =	ssyncadd.s32 $0xFFFF8000  }
0x19: {  	[tilespmem:s3], [sflag:$0x2] =	stream.linear.gather [hbm4b:s5+s3], $0x100, $0x38;
	[tilespmem:$0x8100] =	vst v63  }
0x1a: {  	_ =	swait.ge [sflag:s4], $0x100  }
0x1b: {  	[sflag:s4] =	ssyncset.done $0x0  }
0x1c: {  	[sflag:s4] =	ssyncadd.s32 $0xFFFFFF00  }
0x1d: {  	[tilespmem:s7], [sflag:$0x1] =	stream.indirect.gather [hbm4b:s2+s6], $0x80, s3, s6, $0xb8;
	[tilespmem:$0x8100] =	vst v63  }
0x1e: {  	_ = 	snop  }
0x1f: {  	[tilespmem:s8], [sflag:$0x1] =	stream.indirect.gather [hbm4b:s2+s6], $0x80, s6, s6, $0xb8;
	[tilespmem:$0x8100] =	vst v63  }
0x20: {  	_ =	swait.ge [sflag:s9], $0x4000  }
0x21: {  	[sflag:s9] =	ssyncset.done $0x0  }
0x22: {  	[sflag:s9] =	ssyncadd.s32 $0xFFFFC000  }
0x23: {  	_ =	swait.ge [sflag:s9], $0x4000  }
.Ltmp1:
0x24: {  	[sflag:s9] =	ssyncset.done $0x0;
	(pc) =	sbr.rel @p0 .LBB2_1-.Ltmp1, $4  }
0x25: {  	[sflag:s9] =	ssyncadd.s32 $0xFFFFC000  }
0x26: {  	[hbm4b:s10+s3] =	stream.linear.scatter [tilespmem:s7], [sflag:$0x2], $0x8000, $0x38;
	[tilespmem:$0x8100] =	vst v63  }
0x27: {  	_ =	swait.ge [sflag:s4], $0x8000  }
0x28: {  	[sflag:s4] =	ssyncset.done $0x0  }
.LBB2_2:
0x29: {  	[sflag:s4] =	ssyncadd.s32 $0xFFFF8000  }
0x2a: {  	_ =	sfence.sel $0x180000  }
0x2b: {  	[bflag:$0x0] =	sbarrier.arrive $0xFFFF  }
0x2c: {  	p0 =	sne.s32 s0, $0x0;
	_ =	strace $0x90000047  }
0x2d: {  	s0 =	sadd.s32 @!p0 $0x100000, s1;
	[bflag:$0x2] =	sbarrier.arrive $0xFFFF  }
0x2e: {  	[sflag:s0] =	ssyncadd.tile.s32 @!p0 $0x1;
	_ =	shalt  }
.Lfunc_end2:
_tile_overlayer_lowered:
.L_overlay_start_2:
0x2f: {  	(tag) =	ssettag $0x2  }
0x30: {  	s0 =	rddreg [dreg:$0x0];
	s2 =	stileid.u32  }
0x31: {  	s1 =	rddreg [dreg:$0x1];
	p0 =	sne.s32 s2, $0x0  }
0x32: {  	s3 =	rddreg [dreg:$0x2];
	[bflag:$0x3] =	sbarrier.arrive $0xFFFF;
	s2 =	simm.s32 @!p0 $0x1C02  }
0x33: {  	[timem:s3], [sflag:s2] =	dma.local @!p0 [hbm:s0], s1  }
0x34: {  	s0 =	simm.s32 @!p0 $0x2  }
0x35: {  	_ =	swait.ge @!p0 [sflag:s0], s1  }
0x36: {  	s1 =	ssub.s32 @!p0 $0x0, s1;
	[sflag:s0] =	ssyncset.done @!p0 $0x0  }
0x37: {  	[sflag:s0] =	ssyncadd.s32 @!p0 s1  }
0x38: {  	[bflag:$0x3] =	sbarrier.arrive $0xFFFF  }
0x39: {  	_ =	shalt  }

</sc_bundles>
